<compile_context>
chip_gen: v7x
topology: tpu7x:2x2x1
jax: 0.10.2.dev20260603
libtpu: 0.0.44.dev20260713+nightly
codegen_flags: <defaults>
</compile_context>

<pallas_src>
import functools

import jax
import jax.numpy as jnp
from jax import lax
from jax.experimental import pallas as pl
from jax.experimental.pallas import tpu as pltpu
from jax.experimental.pallas import tpu_sc as plsc

VOCAB = 100000
EMB = 128
OUT = 128
B = 4096
L = 200

NC = 2
NS = 16
NW = NC * NS
RPW = B // NW
LANES = 16
NCH = EMB // LANES
C0 = 128
C1 = L - C0
NBUF = 2
UNROLL = 4


def _bow_sc(inp, table):
    mesh = plsc.VectorSubcoreMesh(core_axis_name="c", subcore_axis_name="s")

    @functools.partial(
        pl.kernel,
        mesh=mesh,
        out_type=jax.ShapeDtypeStruct((B, EMB), jnp.float32),
        scratch_types=[
            pltpu.VMEM((RPW, L), jnp.int32),
            pltpu.VMEM((NBUF, L, EMB), jnp.float32),
            pltpu.VMEM((RPW, EMB), jnp.float32),
        ] + [pltpu.SemaphoreType.DMA] * NBUF,
    )
    def bow_kernel(inp_hbm, table_hbm, out_hbm, idx_v, gbuf, obuf, *sems):
        wid = lax.axis_index("s") * NC + lax.axis_index("c")
        base = wid * RPW
        pltpu.sync_copy(inp_hbm.at[pl.ds(base, RPW), :], idx_v)

        def start(b, buf):
            pltpu.async_copy(table_hbm.at[idx_v.at[b, pl.ds(0, C0)]],
                             gbuf.at[buf, pl.ds(0, C0), :], sems[buf])
            pltpu.async_copy(table_hbm.at[idx_v.at[b, pl.ds(C0, C1)]],
                             gbuf.at[buf, pl.ds(C0, C1), :], sems[buf])

        def wait(b, buf):
            pltpu.make_async_copy(table_hbm.at[idx_v.at[b, pl.ds(0, C0)]],
                                  gbuf.at[buf, pl.ds(0, C0), :], sems[buf]).wait()
            pltpu.make_async_copy(table_hbm.at[idx_v.at[b, pl.ds(C0, C1)]],
                                  gbuf.at[buf, pl.ds(C0, C1), :], sems[buf]).wait()

        def reduce_row(b, buf):
            def body(i, acc):
                l0 = i * UNROLL
                for u in range(UNROLL):
                    acc = tuple(
                        acc[c] + gbuf[buf, l0 + u, pl.ds(LANES * c, LANES)]
                        for c in range(NCH))
                return acc
            acc = lax.fori_loop(
                0, L // UNROLL, body,
                tuple(jnp.zeros((LANES,), jnp.float32) for _ in range(NCH)))
            for c in range(NCH):
                obuf[b, pl.ds(LANES * c, LANES)] = acc[c]

        start(0, 0)

        def step(s):
            for ph in range(2):
                b = 2 * s + ph

                @pl.when(b + 1 < RPW)
                def _():
                    start(b + 1, (ph + 1) % 2)

                wait(b, ph)

        pl.loop(0, RPW // 2)(step)
        pltpu.sync_copy(obuf, out_hbm.at[pl.ds(base, RPW), :])

    return bow_kernel(inp, table)


def _mlp_body(bow_ref, mask_ref, w1_ref, b1_ref, w2_ref, b2_ref, out_ref):
    cnt = jnp.sum(mask_ref[...], axis=1, keepdims=True)
    scale = lax.rsqrt(jnp.maximum(cnt, 1.0))
    bow = bow_ref[...] * scale
    h = jnp.tanh(
        jnp.dot(bow, w1_ref[...], preferred_element_type=jnp.float32)
        + b1_ref[...])
    out_ref[...] = (
        jnp.dot(h, w2_ref[...], preferred_element_type=jnp.float32)
        + b2_ref[...])


def _mlp_tc(bow_sum, maskf, W1, b1, W2, b2):
    BLK = 1024
    grid = (B // BLK,)
    return pl.pallas_call(
        _mlp_body,
        grid=grid,
        in_specs=[
            pl.BlockSpec((BLK, EMB), lambda i: (i, 0)),
            pl.BlockSpec((BLK, L), lambda i: (i, 0)),
            pl.BlockSpec((EMB, EMB), lambda i: (0, 0)),
            pl.BlockSpec((1, EMB), lambda i: (0, 0)),
            pl.BlockSpec((EMB, OUT), lambda i: (0, 0)),
            pl.BlockSpec((1, OUT), lambda i: (0, 0)),
        ],
        out_specs=pl.BlockSpec((BLK, OUT), lambda i: (i, 0)),
        out_shape=jax.ShapeDtypeStruct((B, OUT), jnp.float32),
    )(bow_sum, maskf, W1, b1, W2, b2)


def kernel(input, mask, table, W1, b1, W2, b2):
    bow_sum = _bow_sc(input.astype(jnp.int32), table)
    return _mlp_tc(bow_sum, mask.astype(jnp.float32),
                   W1, b1.reshape(1, EMB), W2, b2.reshape(1, OUT))

# --- scband reference (transcript-rebuilt; emitter-appended) ---
"""Pipeline reference for scband-bow-encoder-84413287235863 (READ-ONLY COPY).

The authoritative reference and input builder live on the scoring server;
editing this copy changes nothing except your own understanding.
"""

import jax, jax.numpy as jnp
import numpy as np

VOCAB = 100000
EMB = 128
OUT = 128
B = 4096
L = 200

def setup_inputs(seed: int = 0) -> dict:
    key = jax.random.key(seed)
    k1, k2, k3, k4 = jax.random.split(key, 4)
    inp = jax.random.randint(k1, (B, L), 0, VOCAB)
    mask = jnp.ones((B, L), dtype=jnp.bool_)
    table = jax.random.normal(k2, (VOCAB, EMB), dtype=jnp.float32) * 0.02
    W1 = jax.random.normal(k3, (EMB, EMB), dtype=jnp.float32) * (1.0 / np.sqrt(EMB))
    b1 = jnp.zeros((EMB,), dtype=jnp.float32)
    W2 = jax.random.normal(k4, (EMB, OUT), dtype=jnp.float32) * (1.0 / np.sqrt(EMB))
    b2 = jnp.zeros((OUT,), dtype=jnp.float32)
    return {"input": inp, "mask": mask, "table": table, "W1": W1, "b1": b1, "W2": W2, "b2": b2}

def reference(input, mask, table, W1, b1, W2, b2):
    # embedding lookup (dropout p=0 -> identity)
    emb = jnp.take(table, input, axis=0)  # [B, L, EMB]
    # scale = mask.sum(dim=1, keepdim=True).float().clamp(min=1)
    scale = jnp.maximum(jnp.sum(mask, axis=1, keepdims=True).astype(jnp.float32), 1.0)
    # scale_sqrt=True
    scale = jnp.sqrt(scale)
    bow = jnp.sum(emb, axis=1) / scale  # [B, EMB]
    # proj: Linear -> Tanh -> Linear (n_tanh=1)
    h = jnp.tanh(bow @ W1 + b1)
    out = h @ W2 + b2
    return out

if __name__ == "__main__":
    import jax
    _d = setup_inputs()
    print(jax.jit(kernel)(*tuple(_d.values())))

</pallas_src>

<mosaic_0001>
#map = affine_map<(d0, d1) -> (0, 0)>
module attributes {stable_mosaic.version = 14 : i64} {
  func.func @bow_kernel(%arg0: i32, %arg1: i32, %arg2: memref<4096x200xi32, #tpu.memory_space<hbm>>, %arg3: memref<100000x128xf32, #tpu.memory_space<hbm>>, %arg4: memref<4096x128xf32, #tpu.memory_space<hbm>>, %arg5: memref<128x200xi32, #tpu.memory_space<vmem>>, %arg6: memref<2x200x128xf32, #tpu.memory_space<vmem>>, %arg7: memref<128x128xf32, #tpu.memory_space<vmem>>, %arg8: memref<!tpu.dma_semaphore, #tpu.memory_space<semaphore_mem>>, %arg9: memref<!tpu.dma_semaphore, #tpu.memory_space<semaphore_mem>>) attributes {dimension_semantics = [#tpu.dimension_semantics<core_parallel>, #tpu.dimension_semantics<subcore_parallel>], iteration_bounds = array<i64: 2, 16>, scalar_prefetch = 0 : i64, scratch_operands = 5 : i64, tpu.core_type = #tpu.core_type<sc_vector_subcore>, window_params = [{transform_indices = #map}, {transform_indices = #map}, {transform_indices = #map}]} {
    %mul3A = arith.constant 2 : i32
    %mul3A_0 = arith.muli %arg1, %mul3A : i32
    %add3A = arith.addi %mul3A_0, %arg0 : i32
    %mul3A_1 = arith.constant 128 : i32
    %mul3A_2 = arith.muli %add3A, %mul3A_1 : i32
    "tpu.region"() ({
      %run_scoped3A = tpu.sem_alloc : memref<!tpu.dma_semaphore, #tpu.memory_space<semaphore_mem>>
      %dma_start3A_30 = arith.constant 0 : i32
      %dma_start3A_31 = tpu.memref_slice %arg2[%mul3A_2, %dma_start3A_30] : memref<4096x200xi32, #tpu.memory_space<hbm>> -> memref<128x200xi32, #tpu.memory_space<hbm>>
      %dma_start3A_32 = arith.constant 0 : i32
      %dma_start3A_33 = tpu.memref_slice %arg2[%mul3A_2, %dma_start3A_32] : memref<4096x200xi32, #tpu.memory_space<hbm>> -> memref<128x200xi32, #tpu.memory_space<hbm>>
      tpu.enqueue_dma source(%dma_start3A_33 : memref<128x200xi32, #tpu.memory_space<hbm>>) target(%arg5 : memref<128x200xi32, #tpu.memory_space<vmem>>) target_semaphore(%run_scoped3A : memref<!tpu.dma_semaphore, #tpu.memory_space<semaphore_mem>>)
      %dma_wait3A = arith.constant 0 : i32
      %dma_wait3A_34 = tpu.memref_slice %arg2[%mul3A_2, %dma_wait3A] : memref<4096x200xi32, #tpu.memory_space<hbm>> -> memref<128x200xi32, #tpu.memory_space<hbm>>
      %dma_wait3A_35 = arith.constant 0 : i32
      %dma_wait3A_36 = tpu.memref_slice %arg2[%mul3A_2, %dma_wait3A_35] : memref<4096x200xi32, #tpu.memory_space<hbm>> -> memref<128x200xi32, #tpu.memory_space<hbm>>
      tpu.wait_dma2 semaphore(%run_scoped3A : memref<!tpu.dma_semaphore, #tpu.memory_space<semaphore_mem>>) src(%dma_wait3A_36 : memref<128x200xi32, #tpu.memory_space<hbm>>) dst(%arg5 : memref<128x200xi32, #tpu.memory_space<vmem>>)
      tpu.yield
    }) : () -> ()
    %dma_start3A = arith.constant 0 : i32
    %dma_start3A_3 = arith.constant 0 : i32
    %dma_start3A_4 = arith.constant 0 : i32
    %dma_start3A_5 = arith.constant 0 : i32
    %dma_start3A_6 = tpu.memref_slice %arg6[%dma_start3A_3, %dma_start3A_4, %dma_start3A_5] : memref<2x200x128xf32, #tpu.memory_space<vmem>> -> memref<1x128x128xf32, #tpu.memory_space<vmem>>
    %dma_start3A_7 = tpu.memref_squeeze %dma_start3A_6 : memref<1x128x128xf32, #tpu.memory_space<vmem>> -> memref<128x128xf32, #tpu.memory_space<vmem>>
    %dma_start3A_8 = arith.constant 0 : i32
    %dma_start3A_9 = tpu.memref_slice %arg5[%dma_start3A, %dma_start3A_8] : memref<128x200xi32, #tpu.memory_space<vmem>> -> memref<1x128xi32, #tpu.memory_space<vmem>>
    %dma_start3A_10 = tpu.memref_squeeze %dma_start3A_9 : memref<1x128xi32, #tpu.memory_space<vmem>> -> memref<128xi32, #tpu.memory_space<vmem>>
    %dma_start3A_11 = arith.constant 0 : i32
    %dma_start3A_12 = arith.constant 0 : i32
    %dma_start3A_13 = tpu.memref_slice %arg3[%dma_start3A_11, %dma_start3A_12] : memref<100000x128xf32, #tpu.memory_space<hbm>> -> memref<100000x128xf32, #tpu.memory_space<hbm>>
    tpu.enqueue_indirect_dma source(%dma_start3A_13 : memref<100000x128xf32, #tpu.memory_space<hbm>>) target(%dma_start3A_7 : memref<128x128xf32, #tpu.memory_space<vmem>>) offsets(%dma_start3A_10 : memref<128xi32, #tpu.memory_space<vmem>>) semaphore(%arg8 : memref<!tpu.dma_semaphore, #tpu.memory_space<semaphore_mem>>)
    %dma_start3A_14 = arith.constant 0 : i32
    %dma_start3A_15 = arith.constant 0 : i32
    %dma_start3A_16 = arith.constant 128 : i32
    %dma_start3A_17 = arith.constant 0 : i32
    %dma_start3A_18 = tpu.memref_slice %arg6[%dma_start3A_15, %dma_start3A_16, %dma_start3A_17] : memref<2x200x128xf32, #tpu.memory_space<vmem>> -> memref<1x72x128xf32, #tpu.memory_space<vmem>>
    %dma_start3A_19 = tpu.memref_squeeze %dma_start3A_18 : memref<1x72x128xf32, #tpu.memory_space<vmem>> -> memref<72x128xf32, #tpu.memory_space<vmem>>
    %dma_start3A_20 = arith.constant 128 : i32
    %dma_start3A_21 = tpu.memref_slice %arg5[%dma_start3A_14, %dma_start3A_20] : memref<128x200xi32, #tpu.memory_space<vmem>> -> memref<1x72xi32, #tpu.memory_space<vmem>>
    %dma_start3A_22 = tpu.memref_squeeze %dma_start3A_21 : memref<1x72xi32, #tpu.memory_space<vmem>> -> memref<72xi32, #tpu.memory_space<vmem>>
    %dma_start3A_23 = arith.constant 0 : i32
    %dma_start3A_24 = arith.constant 0 : i32
    %dma_start3A_25 = tpu.memref_slice %arg3[%dma_start3A_23, %dma_start3A_24] : memref<100000x128xf32, #tpu.memory_space<hbm>> -> memref<100000x128xf32, #tpu.memory_space<hbm>>
    tpu.enqueue_indirect_dma source(%dma_start3A_25 : memref<100000x128xf32, #tpu.memory_space<hbm>>) target(%dma_start3A_19 : memref<72x128xf32, #tpu.memory_space<vmem>>) offsets(%dma_start3A_22 : memref<72xi32, #tpu.memory_space<vmem>>) semaphore(%arg8 : memref<!tpu.dma_semaphore, #tpu.memory_space<semaphore_mem>>)
    %scan3A = arith.constant 0 : i32
    %scan3A_26 = arith.constant 64 : i32
    %scan3A_27 = arith.addi %scan3A, %scan3A_26 : i32
    %scan3A_28 = arith.constant 1 : i32
    scf.for %scan3A_30 = %scan3A to %scan3A_27 step %scan3A_28  : i32 {
      %mul3A_31 = arith.constant 1 : i32
      %mul3A_32 = arith.muli %scan3A_30, %mul3A_31 : i32
      %add3A_33 = arith.constant 0 : i32
      %add3A_34 = arith.addi %add3A_33, %mul3A_32 : i32
      %mul3A_35 = arith.constant 2 : i32
      %mul3A_36 = arith.muli %mul3A_35, %add3A_34 : i32
      %add3A_37 = arith.constant 0 : i32
      %add3A_38 = arith.addi %mul3A_36, %add3A_37 : i32
      %add3A_39 = arith.constant 1 : i32
      %add3A_40 = arith.addi %add3A_38, %add3A_39 : i32
      %lt3A = arith.constant 128 : i32
      %lt3A_41 = arith.cmpi slt, %add3A_40, %lt3A : i32
      %convert_element_type3A = arith.extui %lt3A_41 : i1 to i32
      %cond3A = arith.constant 0 : i32
      %cond3A_42 = arith.cmpi ne, %convert_element_type3A, %cond3A : i32
      scf.if %cond3A_42 {
        %add3A_97 = arith.constant 1 : i32
        %add3A_98 = arith.addi %add3A_38, %add3A_97 : i32
        %dma_start3A_99 = arith.constant 1 : i32
        %dma_start3A_100 = arith.constant 0 : i32
        %dma_start3A_101 = arith.constant 0 : i32
        %dma_start3A_102 = tpu.memref_slice %arg6[%dma_start3A_99, %dma_start3A_100, %dma_start3A_101] : memref<2x200x128xf32, #tpu.memory_space<vmem>> -> memref<1x128x128xf32, #tpu.memory_space<vmem>>
        %dma_start3A_103 = tpu.memref_squeeze %dma_start3A_102 : memref<1x128x128xf32, #tpu.memory_space<vmem>> -> memref<128x128xf32, #tpu.memory_space<vmem>>
        %dma_start3A_104 = arith.constant 0 : i32
        %dma_start3A_105 = tpu.memref_slice %arg5[%add3A_98, %dma_start3A_104] : memref<128x200xi32, #tpu.memory_space<vmem>> -> memref<1x128xi32, #tpu.memory_space<vmem>>
        %dma_start3A_106 = tpu.memref_squeeze %dma_start3A_105 : memref<1x128xi32, #tpu.memory_space<vmem>> -> memref<128xi32, #tpu.memory_space<vmem>>
        %dma_start3A_107 = arith.constant 0 : i32
        %dma_start3A_108 = arith.constant 0 : i32
        %dma_start3A_109 = tpu.memref_slice %arg3[%dma_start3A_107, %dma_start3A_108] : memref<100000x128xf32, #tpu.memory_space<hbm>> -> memref<100000x128xf32, #tpu.memory_space<hbm>>
        tpu.enqueue_indirect_dma source(%dma_start3A_109 : memref<100000x128xf32, #tpu.memory_space<hbm>>) target(%dma_start3A_103 : memref<128x128xf32, #tpu.memory_space<vmem>>) offsets(%dma_start3A_106 : memref<128xi32, #tpu.memory_space<vmem>>) semaphore(%arg9 : memref<!tpu.dma_semaphore, #tpu.memory_space<semaphore_mem>>)
        %dma_start3A_110 = arith.constant 1 : i32
        %dma_start3A_111 = arith.constant 128 : i32
        %dma_start3A_112 = arith.constant 0 : i32
        %dma_start3A_113 = tpu.memref_slice %arg6[%dma_start3A_110, %dma_start3A_111, %dma_start3A_112] : memref<2x200x128xf32, #tpu.memory_space<vmem>> -> memref<1x72x128xf32, #tpu.memory_space<vmem>>
        %dma_start3A_114 = tpu.memref_squeeze %dma_start3A_113 : memref<1x72x128xf32, #tpu.memory_space<vmem>> -> memref<72x128xf32, #tpu.memory_space<vmem>>
        %dma_start3A_115 = arith.constant 128 : i32
        %dma_start3A_116 = tpu.memref_slice %arg5[%add3A_98, %dma_start3A_115] : memref<128x200xi32, #tpu.memory_space<vmem>> -> memref<1x72xi32, #tpu.memory_space<vmem>>
        %dma_start3A_117 = tpu.memref_squeeze %dma_start3A_116 : memref<1x72xi32, #tpu.memory_space<vmem>> -> memref<72xi32, #tpu.memory_space<vmem>>
        %dma_start3A_118 = arith.constant 0 : i32
        %dma_start3A_119 = arith.constant 0 : i32
        %dma_start3A_120 = tpu.memref_slice %arg3[%dma_start3A_118, %dma_start3A_119] : memref<100000x128xf32, #tpu.memory_space<hbm>> -> memref<100000x128xf32, #tpu.memory_space<hbm>>
        tpu.enqueue_indirect_dma source(%dma_start3A_120 : memref<100000x128xf32, #tpu.memory_space<hbm>>) target(%dma_start3A_114 : memref<72x128xf32, #tpu.memory_space<vmem>>) offsets(%dma_start3A_117 : memref<72xi32, #tpu.memory_space<vmem>>) semaphore(%arg9 : memref<!tpu.dma_semaphore, #tpu.memory_space<semaphore_mem>>)
      } else {
      }
      %dma_wait3A = arith.constant 0 : i32
      %dma_wait3A_43 = arith.constant 0 : i32
      %dma_wait3A_44 = arith.constant 0 : i32
      %dma_wait3A_45 = tpu.memref_slice %arg6[%dma_wait3A, %dma_wait3A_43, %dma_wait3A_44] : memref<2x200x128xf32, #tpu.memory_space<vmem>> -> memref<1x128x128xf32, #tpu.memory_space<vmem>>
      %dma_wait3A_46 = tpu.memref_squeeze %dma_wait3A_45 : memref<1x128x128xf32, #tpu.memory_space<vmem>> -> memref<128x128xf32, #tpu.memory_space<vmem>>
      %dma_wait3A_47 = arith.constant 0 : i32
      %dma_wait3A_48 = tpu.memref_slice %arg5[%add3A_38, %dma_wait3A_47] : memref<128x200xi32, #tpu.memory_space<vmem>> -> memref<1x128xi32, #tpu.memory_space<vmem>>
      %dma_wait3A_49 = tpu.memref_squeeze %dma_wait3A_48 : memref<1x128xi32, #tpu.memory_space<vmem>> -> memref<128xi32, #tpu.memory_space<vmem>>
      %dma_wait3A_50 = arith.constant 0 : i32
      %dma_wait3A_51 = arith.constant 0 : i32
      %dma_wait3A_52 = tpu.memref_slice %arg3[%dma_wait3A_50, %dma_wait3A_51] : memref<100000x128xf32, #tpu.memory_space<hbm>> -> memref<100000x128xf32, #tpu.memory_space<hbm>>
      tpu.wait_indirect_dma semaphore(%arg8 : memref<!tpu.dma_semaphore, #tpu.memory_space<semaphore_mem>>) src(%dma_wait3A_52 : memref<100000x128xf32, #tpu.memory_space<hbm>>) dst(%dma_wait3A_46 : memref<128x128xf32, #tpu.memory_space<vmem>>)
      %dma_wait3A_53 = arith.constant 0 : i32
      %dma_wait3A_54 = arith.constant 128 : i32
      %dma_wait3A_55 = arith.constant 0 : i32
      %dma_wait3A_56 = tpu.memref_slice %arg6[%dma_wait3A_53, %dma_wait3A_54, %dma_wait3A_55] : memref<2x200x128xf32, #tpu.memory_space<vmem>> -> memref<1x72x128xf32, #tpu.memory_space<vmem>>
      %dma_wait3A_57 = tpu.memref_squeeze %dma_wait3A_56 : memref<1x72x128xf32, #tpu.memory_space<vmem>> -> memref<72x128xf32, #tpu.memory_space<vmem>>
      %dma_wait3A_58 = arith.constant 128 : i32
      %dma_wait3A_59 = tpu.memref_slice %arg5[%add3A_38, %dma_wait3A_58] : memref<128x200xi32, #tpu.memory_space<vmem>> -> memref<1x72xi32, #tpu.memory_space<vmem>>
      %dma_wait3A_60 = tpu.memref_squeeze %dma_wait3A_59 : memref<1x72xi32, #tpu.memory_space<vmem>> -> memref<72xi32, #tpu.memory_space<vmem>>
      %dma_wait3A_61 = arith.constant 0 : i32
      %dma_wait3A_62 = arith.constant 0 : i32
      %dma_wait3A_63 = tpu.memref_slice %arg3[%dma_wait3A_61, %dma_wait3A_62] : memref<100000x128xf32, #tpu.memory_space<hbm>> -> memref<100000x128xf32, #tpu.memory_space<hbm>>
      tpu.wait_indirect_dma semaphore(%arg8 : memref<!tpu.dma_semaphore, #tpu.memory_space<semaphore_mem>>) src(%dma_wait3A_63 : memref<100000x128xf32, #tpu.memory_space<hbm>>) dst(%dma_wait3A_57 : memref<72x128xf32, #tpu.memory_space<vmem>>)
      %mul3A_64 = arith.constant 2 : i32
      %mul3A_65 = arith.muli %mul3A_64, %add3A_34 : i32
      %add3A_66 = arith.constant 1 : i32
      %add3A_67 = arith.addi %mul3A_65, %add3A_66 : i32
      %add3A_68 = arith.constant 1 : i32
      %add3A_69 = arith.addi %add3A_67, %add3A_68 : i32
      %lt3A_70 = arith.constant 128 : i32
      %lt3A_71 = arith.cmpi slt, %add3A_69, %lt3A_70 : i32
      %convert_element_type3A_72 = arith.extui %lt3A_71 : i1 to i32
      %cond3A_73 = arith.constant 0 : i32
      %cond3A_74 = arith.cmpi ne, %convert_element_type3A_72, %cond3A_73 : i32
      scf.if %cond3A_74 {
        %add3A_97 = arith.constant 1 : i32
        %add3A_98 = arith.addi %add3A_67, %add3A_97 : i32
        %dma_start3A_99 = arith.constant 0 : i32
        %dma_start3A_100 = arith.constant 0 : i32
        %dma_start3A_101 = arith.constant 0 : i32
        %dma_start3A_102 = tpu.memref_slice %arg6[%dma_start3A_99, %dma_start3A_100, %dma_start3A_101] : memref<2x200x128xf32, #tpu.memory_space<vmem>> -> memref<1x128x128xf32, #tpu.memory_space<vmem>>
        %dma_start3A_103 = tpu.memref_squeeze %dma_start3A_102 : memref<1x128x128xf32, #tpu.memory_space<vmem>> -> memref<128x128xf32, #tpu.memory_space<vmem>>
        %dma_start3A_104 = arith.constant 0 : i32
        %dma_start3A_105 = tpu.memref_slice %arg5[%add3A_98, %dma_start3A_104] : memref<128x200xi32, #tpu.memory_space<vmem>> -> memref<1x128xi32, #tpu.memory_space<vmem>>
        %dma_start3A_106 = tpu.memref_squeeze %dma_start3A_105 : memref<1x128xi32, #tpu.memory_space<vmem>> -> memref<128xi32, #tpu.memory_space<vmem>>
        %dma_start3A_107 = arith.constant 0 : i32
        %dma_start3A_108 = arith.constant 0 : i32
        %dma_start3A_109 = tpu.memref_slice %arg3[%dma_start3A_107, %dma_start3A_108] : memref<100000x128xf32, #tpu.memory_space<hbm>> -> memref<100000x128xf32, #tpu.memory_space<hbm>>
        tpu.enqueue_indirect_dma source(%dma_start3A_109 : memref<100000x128xf32, #tpu.memory_space<hbm>>) target(%dma_start3A_103 : memref<128x128xf32, #tpu.memory_space<vmem>>) offsets(%dma_start3A_106 : memref<128xi32, #tpu.memory_space<vmem>>) semaphore(%arg8 : memref<!tpu.dma_semaphore, #tpu.memory_space<semaphore_mem>>)
        %dma_start3A_110 = arith.constant 0 : i32
        %dma_start3A_111 = arith.constant 128 : i32
        %dma_start3A_112 = arith.constant 0 : i32
        %dma_start3A_113 = tpu.memref_slice %arg6[%dma_start3A_110, %dma_start3A_111, %dma_start3A_112] : memref<2x200x128xf32, #tpu.memory_space<vmem>> -> memref<1x72x128xf32, #tpu.memory_space<vmem>>
        %dma_start3A_114 = tpu.memref_squeeze %dma_start3A_113 : memref<1x72x128xf32, #tpu.memory_space<vmem>> -> memref<72x128xf32, #tpu.memory_space<vmem>>
        %dma_start3A_115 = arith.constant 128 : i32
        %dma_start3A_116 = tpu.memref_slice %arg5[%add3A_98, %dma_start3A_115] : memref<128x200xi32, #tpu.memory_space<vmem>> -> memref<1x72xi32, #tpu.memory_space<vmem>>
        %dma_start3A_117 = tpu.memref_squeeze %dma_start3A_116 : memref<1x72xi32, #tpu.memory_space<vmem>> -> memref<72xi32, #tpu.memory_space<vmem>>
        %dma_start3A_118 = arith.constant 0 : i32
        %dma_start3A_119 = arith.constant 0 : i32
        %dma_start3A_120 = tpu.memref_slice %arg3[%dma_start3A_118, %dma_start3A_119] : memref<100000x128xf32, #tpu.memory_space<hbm>> -> memref<100000x128xf32, #tpu.memory_space<hbm>>
        tpu.enqueue_indirect_dma source(%dma_start3A_120 : memref<100000x128xf32, #tpu.memory_space<hbm>>) target(%dma_start3A_114 : memref<72x128xf32, #tpu.memory_space<vmem>>) offsets(%dma_start3A_117 : memref<72xi32, #tpu.memory_space<vmem>>) semaphore(%arg8 : memref<!tpu.dma_semaphore, #tpu.memory_space<semaphore_mem>>)
      } else {
      }
      %dma_wait3A_75 = arith.constant 1 : i32
      %dma_wait3A_76 = arith.constant 0 : i32
      %dma_wait3A_77 = arith.constant 0 : i32
      %dma_wait3A_78 = tpu.memref_slice %arg6[%dma_wait3A_75, %dma_wait3A_76, %dma_wait3A_77] : memref<2x200x128xf32, #tpu.memory_space<vmem>> -> memref<1x128x128xf32, #tpu.memory_space<vmem>>
      %dma_wait3A_79 = tpu.memref_squeeze %dma_wait3A_78 : memref<1x128x128xf32, #tpu.memory_space<vmem>> -> memref<128x128xf32, #tpu.memory_space<vmem>>
      %dma_wait3A_80 = arith.constant 0 : i32
      %dma_wait3A_81 = tpu.memref_slice %arg5[%add3A_67, %dma_wait3A_80] : memref<128x200xi32, #tpu.memory_space<vmem>> -> memref<1x128xi32, #tpu.memory_space<vmem>>
      %dma_wait3A_82 = tpu.memref_squeeze %dma_wait3A_81 : memref<1x128xi32, #tpu.memory_space<vmem>> -> memref<128xi32, #tpu.memory_space<vmem>>
      %dma_wait3A_83 = arith.constant 0 : i32
      %dma_wait3A_84 = arith.constant 0 : i32
      %dma_wait3A_85 = tpu.memref_slice %arg3[%dma_wait3A_83, %dma_wait3A_84] : memref<100000x128xf32, #tpu.memory_space<hbm>> -> memref<100000x128xf32, #tpu.memory_space<hbm>>
      tpu.wait_indirect_dma semaphore(%arg9 : memref<!tpu.dma_semaphore, #tpu.memory_space<semaphore_mem>>) src(%dma_wait3A_85 : memref<100000x128xf32, #tpu.memory_space<hbm>>) dst(%dma_wait3A_79 : memref<128x128xf32, #tpu.memory_space<vmem>>)
      %dma_wait3A_86 = arith.constant 1 : i32
      %dma_wait3A_87 = arith.constant 128 : i32
      %dma_wait3A_88 = arith.constant 0 : i32
      %dma_wait3A_89 = tpu.memref_slice %arg6[%dma_wait3A_86, %dma_wait3A_87, %dma_wait3A_88] : memref<2x200x128xf32, #tpu.memory_space<vmem>> -> memref<1x72x128xf32, #tpu.memory_space<vmem>>
      %dma_wait3A_90 = tpu.memref_squeeze %dma_wait3A_89 : memref<1x72x128xf32, #tpu.memory_space<vmem>> -> memref<72x128xf32, #tpu.memory_space<vmem>>
      %dma_wait3A_91 = arith.constant 128 : i32
      %dma_wait3A_92 = tpu.memref_slice %arg5[%add3A_67, %dma_wait3A_91] : memref<128x200xi32, #tpu.memory_space<vmem>> -> memref<1x72xi32, #tpu.memory_space<vmem>>
      %dma_wait3A_93 = tpu.memref_squeeze %dma_wait3A_92 : memref<1x72xi32, #tpu.memory_space<vmem>> -> memref<72xi32, #tpu.memory_space<vmem>>
      %dma_wait3A_94 = arith.constant 0 : i32
      %dma_wait3A_95 = arith.constant 0 : i32
      %dma_wait3A_96 = tpu.memref_slice %arg3[%dma_wait3A_94, %dma_wait3A_95] : memref<100000x128xf32, #tpu.memory_space<hbm>> -> memref<100000x128xf32, #tpu.memory_space<hbm>>
      tpu.wait_indirect_dma semaphore(%arg9 : memref<!tpu.dma_semaphore, #tpu.memory_space<semaphore_mem>>) src(%dma_wait3A_96 : memref<100000x128xf32, #tpu.memory_space<hbm>>) dst(%dma_wait3A_90 : memref<72x128xf32, #tpu.memory_space<vmem>>)
    }
    %scan3A_29 = arith.constant 64 : i32
    "tpu.region"() ({
      %run_scoped3A = tpu.sem_alloc : memref<!tpu.dma_semaphore, #tpu.memory_space<semaphore_mem>>
      %dma_start3A_30 = arith.constant 0 : i32
      %dma_start3A_31 = tpu.memref_slice %arg4[%mul3A_2, %dma_start3A_30] : memref<4096x128xf32, #tpu.memory_space<hbm>> -> memref<128x128xf32, #tpu.memory_space<hbm>>
      %dma_start3A_32 = arith.constant 0 : i32
      %dma_start3A_33 = tpu.memref_slice %arg4[%mul3A_2, %dma_start3A_32] : memref<4096x128xf32, #tpu.memory_space<hbm>> -> memref<128x128xf32, #tpu.memory_space<hbm>>
      tpu.enqueue_dma source(%arg7 : memref<128x128xf32, #tpu.memory_space<vmem>>) target(%dma_start3A_33 : memref<128x128xf32, #tpu.memory_space<hbm>>) target_semaphore(%run_scoped3A : memref<!tpu.dma_semaphore, #tpu.memory_space<semaphore_mem>>)
      %dma_wait3A = arith.constant 0 : i32
      %dma_wait3A_34 = tpu.memref_slice %arg4[%mul3A_2, %dma_wait3A] : memref<4096x128xf32, #tpu.memory_space<hbm>> -> memref<128x128xf32, #tpu.memory_space<hbm>>
      %dma_wait3A_35 = arith.constant 0 : i32
      %dma_wait3A_36 = tpu.memref_slice %arg4[%mul3A_2, %dma_wait3A_35] : memref<4096x128xf32, #tpu.memory_space<hbm>> -> memref<128x128xf32, #tpu.memory_space<hbm>>
      tpu.wait_dma2 semaphore(%run_scoped3A : memref<!tpu.dma_semaphore, #tpu.memory_space<semaphore_mem>>) src(%arg7 : memref<128x128xf32, #tpu.memory_space<vmem>>) dst(%dma_wait3A_36 : memref<128x128xf32, #tpu.memory_space<hbm>>)
      tpu.yield
    }) : () -> ()
    return
  }
}

module attributes {stable_mosaic.version = 14 : i64} {
  func.func @_mlp_body(%arg0: i32, %arg1: memref<1024x128xf32, #tpu.memory_space<vmem>>, %arg2: memref<1024x200xf32, #tpu.memory_space<vmem>>, %arg3: memref<128x128xf32, #tpu.memory_space<vmem>>, %arg4: memref<1x128xf32, #tpu.memory_space<vmem>>, %arg5: memref<128x128xf32, #tpu.memory_space<vmem>>, %arg6: memref<1x128xf32, #tpu.memory_space<vmem>>, %arg7: memref<1024x128xf32, #tpu.memory_space<vmem>>) attributes {dimension_semantics = [#tpu.dimension_semantics<arbitrary>], iteration_bounds = array<i64: 4>, scalar_prefetch = 0 : i64, scratch_operands = 0 : i64, tpu.core_type = #tpu.core_type<tc>, window_params = [{transform_indices = @transform_0, window_bounds = array<i64: 1024, 128>}, {transform_indices = @transform_1, window_bounds = array<i64: 1024, 200>}, {pipeline_mode = #tpu.pipeline_mode<synchronous>, transform_indices = @transform_2, window_bounds = array<i64: 128, 128>}, {pipeline_mode = #tpu.pipeline_mode<synchronous>, transform_indices = @transform_3, window_bounds = array<i64: 1, 128>}, {pipeline_mode = #tpu.pipeline_mode<synchronous>, transform_indices = @transform_4, window_bounds = array<i64: 128, 128>}, {pipeline_mode = #tpu.pipeline_mode<synchronous>, transform_indices = @transform_5, window_bounds = array<i64: 1, 128>}, {transform_indices = @transform_6, window_bounds = array<i64: 1024, 128>}]} {
    %get3A = arith.constant 0 : index
    %get3A_0 = arith.constant 0 : index
    %get3A_1 = vector.load %arg2[%get3A, %get3A_0] : memref<1024x200xf32, #tpu.memory_space<vmem>>, vector<1024x200xf32>
    %reduce_sum3A = arith.constant dense<0.000000e+00> : vector<1024xf32>
    %reduce_sum3A_2 = vector.multi_reduction <add>, %get3A_1, %reduce_sum3A [1] : vector<1024x200xf32> to vector<1024xf32>
    %broadcast_in_dim3A = vector.shape_cast %reduce_sum3A_2 : vector<1024xf32> to vector<1024x1xf32>
    %max3A = arith.constant 1.000000e+00 : f32
    %max3A_3 = vector.broadcast %max3A : f32 to vector<1024x1xf32>
    %max3A_4 = arith.maximumf %broadcast_in_dim3A, %max3A_3 : vector<1024x1xf32>
    %rsqrt3A = math.rsqrt %max3A_4 : vector<1024x1xf32>
    %get3A_5 = arith.constant 0 : index
    %get3A_6 = arith.constant 0 : index
    %get3A_7 = vector.load %arg1[%get3A_5, %get3A_6] : memref<1024x128xf32, #tpu.memory_space<vmem>>, vector<1024x128xf32>
    %mul3A = vector.broadcast %rsqrt3A : vector<1024x1xf32> to vector<1024x128xf32>
    %mul3A_8 = arith.mulf %get3A_7, %mul3A : vector<1024x128xf32>
    %get3A_9 = arith.constant 0 : index
    %get3A_10 = arith.constant 0 : index
    %get3A_11 = vector.load %arg3[%get3A_9, %get3A_10] : memref<128x128xf32, #tpu.memory_space<vmem>>, vector<128x128xf32>
    %dot_general3A = arith.constant dense<0.000000e+00> : vector<1024x128xf32>
    %dot_general3A_12 = tpu.matmul %mul3A_8, %get3A_11, %dot_general3A {dimension_numbers = #tpu.dot_dimension_numbers<[1], [0], [0], [1], [0, 0, 1, 1], [], []>, transpose_lhs_hint = false} : vector<1024x128xf32>, vector<128x128xf32>, vector<1024x128xf32> -> vector<1024x128xf32>
    %get3A_13 = arith.constant 0 : index
    %get3A_14 = arith.constant 0 : index
    %get3A_15 = vector.load %arg4[%get3A_13, %get3A_14] : memref<1x128xf32, #tpu.memory_space<vmem>>, vector<1x128xf32>
    %add3A = vector.broadcast %get3A_15 : vector<1x128xf32> to vector<1024x128xf32>
    %add3A_16 = arith.addf %dot_general3A_12, %add3A : vector<1024x128xf32>
    %tanh3A = math.tanh %add3A_16 : vector<1024x128xf32>
    %get3A_17 = arith.constant 0 : index
    %get3A_18 = arith.constant 0 : index
    %get3A_19 = vector.load %arg5[%get3A_17, %get3A_18] : memref<128x128xf32, #tpu.memory_space<vmem>>, vector<128x128xf32>
    %dot_general3A_20 = arith.constant dense<0.000000e+00> : vector<1024x128xf32>
    %dot_general3A_21 = tpu.matmul %tanh3A, %get3A_19, %dot_general3A_20 {dimension_numbers = #tpu.dot_dimension_numbers<[1], [0], [0], [1], [0, 0, 1, 1], [], []>, transpose_lhs_hint = false} : vector<1024x128xf32>, vector<128x128xf32>, vector<1024x128xf32> -> vector<1024x128xf32>
    %get3A_22 = arith.constant 0 : index
    %get3A_23 = arith.constant 0 : index
    %get3A_24 = vector.load %arg6[%get3A_22, %get3A_23] : memref<1x128xf32, #tpu.memory_space<vmem>>, vector<1x128xf32>
    %add3A_25 = vector.broadcast %get3A_24 : vector<1x128xf32> to vector<1024x128xf32>
    %add3A_26 = arith.addf %dot_general3A_21, %add3A_25 : vector<1024x128xf32>
    %swap3A = arith.constant 0 : index
    %swap3A_27 = arith.constant 0 : index
    %swap3A_28 = vector.load %arg7[%swap3A, %swap3A_27] : memref<1024x128xf32, #tpu.memory_space<vmem>>, vector<1024x128xf32>
    tpu.vector_store %arg7[%swap3A, %swap3A_27], %add3A_26 {strides = array<i32>} : memref<1024x128xf32, #tpu.memory_space<vmem>>, vector<1024x128xf32>,
    return
  }
  func.func @transform_0(%arg0: i32) -> (i32, i32) {
    %c0_i32 = arith.constant 0 : i32
    %c0_i32_0 = arith.constant 0 : i32
    return %arg0, %c0_i32 : i32, i32
  }
  func.func @transform_1(%arg0: i32) -> (i32, i32) {
    %c0_i32 = arith.constant 0 : i32
    %c0_i32_0 = arith.constant 0 : i32
    return %arg0, %c0_i32 : i32, i32
  }
  func.func @transform_2(%arg0: i32) -> (i32, i32) {
    %c0_i32 = arith.constant 0 : i32
    %c0_i32_0 = arith.constant 0 : i32
    %c0_i32_1 = arith.constant 0 : i32
    return %c0_i32, %c0_i32_0 : i32, i32
  }
  func.func @transform_3(%arg0: i32) -> (i32, i32) {
    %c0_i32 = arith.constant 0 : i32
    %c0_i32_0 = arith.constant 0 : i32
    %c0_i32_1 = arith.constant 0 : i32
    return %c0_i32, %c0_i32_0 : i32, i32
  }
  func.func @transform_4(%arg0: i32) -> (i32, i32) {
    %c0_i32 = arith.constant 0 : i32
    %c0_i32_0 = arith.constant 0 : i32
    %c0_i32_1 = arith.constant 0 : i32
    return %c0_i32, %c0_i32_0 : i32, i32
  }
  func.func @transform_5(%arg0: i32) -> (i32, i32) {
    %c0_i32 = arith.constant 0 : i32
    %c0_i32_0 = arith.constant 0 : i32
    %c0_i32_1 = arith.constant 0 : i32
    return %c0_i32, %c0_i32_0 : i32, i32
  }
  func.func @transform_6(%arg0: i32) -> (i32, i32) {
    %c0_i32 = arith.constant 0 : i32
    %c0_i32_0 = arith.constant 0 : i32
    return %arg0, %c0_i32 : i32, i32
  }
}

</mosaic_0001>

<sc_bundles>
// kernel: kernel.4.cloned.1.call-start
scs
__scs_entry_jumppad:
0x0: {  	(pc) =	sbr.rel $0x88, $3  }
0x1: {  	(tag) =	ssettag $0x0;
	lr =	simm.s32 $0x1  }
0x2: {  	[smem:$0x3F9A] =	sst lr;
	_ =	strace $0xD0000000  }
0x3: {  	_ = 	snop  }
0x4: {  	_ = 	snop  }
0x5: {  	_ = 	snop  }
0x6: {  	_ = 	snop  }
0x7: {  	_ = 	snop  }
__scs_overlays_trampoline_lowered:
0x8: {  	[smem:$0x3FA9] =	sst s0  }
0x9: {  	[smem:$0x3FAA] =	sst s1  }
0xa: {  	[smem:$0x3FAB] =	sst s2  }
0xb: {  	[smem:$0x3FAC] =	sst s3  }
0xc: {  	[smem:$0x3FAD] =	sst s4  }
0xd: {  	[smem:$0x3FAE] =	sst s5  }
0xe: {  	[smem:$0x3FAF] =	sst s6  }
0xf: {  	[smem:$0x3FB0] =	sst s7  }
0x10: {  	[smem:$0x3FB1] =	sst s8  }
0x11: {  	[smem:$0x3FB2] =	sst s9;
	s0 =	simm.s32 @!p0 $0x0  }
0x12: {  	s1 =	sld [smem:$0x3F98];
	s0 =	simm.s32 @p0 $0x1  }
0x13: {  	[smem:$0x3FB3] =	sst s0;
	s0 =	simm.s32 @!p1 $0x0  }
0x14: {  	s2 =	sld [smem:$0x3F97];
	s0 =	simm.s32 @p1 $0x1  }
0x15: {  	[smem:$0x3FB4] =	sst s0;
	s0 =	simm.s32 @!p2 $0x0  }
0x16: {  	s3 =	sld [smem:$0x3FDB];
	s0 =	simm.s32 @p2 $0x1  }
0x17: {  	s4 =	simm.s32 $0x1BF5;
	[smem:$0x3FB6] =	sst s0  }
0x18: {  	s0 =	sld [smem:$0x3F99];
	_ =	swait.ge [sflag:s4], $0x0  }
0x19: {  	s7 =	sld [smem:$0x3F9A]  }
0x1a: {  	s8 =	sadd.s32 $0xFFFFE003, lr  }
0x1b: {  	s9 =	sadd.s32 $0xFFFFFEF7, lr;
	s5 =	simm.s32 $0xFFFFFFFF;
	p2 =	slt.u32 s8, $0xFFFFF086  }
0x1c: {  	p1 =	slt.u32 s9, $0xF7A;
	s5 =	simm.s32 @!p2 $0x0  }
0x1d: {  	s5 =	simm.s32 @p1 $0x1;
	p0 =	seq.s32 s7, s2  }
0x1e: {  	s7 =	smul.u32 @!p0 $0xF7A, s2;
	p2 =	seq.s32 @!p0 s5, $0x0  }
0x1f: {  	s9 =	smul.u32 $0xF7A, s1;
	s8 =	simm.s32 @!p0 $0x1BF5;
	p2 =	por !p2, p0  }
0x20: {  	[sflag:s8] =	ssyncset.s32 @!p0 $0xFFFFF086;
	s6 =	sadd.s32 @!p0 s3, s7;
	s7 =	simm.s32 @!p0 $0x108  }
0x21: {  	s3 =	sadd.s32 s3, s9;
	s6 =	sadd.s32 @!p0 $0x88, s6;
	s7 =	simm.s32 @p2 $0x1082  }
0x22: {  	[simem:s7], [sflag:s8] =	dma.local @!p0 [hbm:s6], $0xF7A  }
0x23: {  	s9 =	sor.u32 $0xD0000000, s2;
	s6 =	simm.s32 $0x108;
	_ =	swait.ge @!p0 [sflag:s8], $0x0  }
0x24: {  	s3 =	sadd.s32 $0x88, s3;
	s6 =	simm.s32 @!p1 $0x1082;
	[sflag:s4] =	ssyncset.s32 $0xFFFFF086  }
0x25: {  	[simem:s6], [sflag:s4] =	dma.local [hbm:s3], $0xF7A  }
0x26: {  	[smem:$0x3F9A] =	sst s1;
	(tag) =	ssettag s2;
	_ =	strace s9  }
0x27: {  	s1 =	sld [smem:$0x3FAA]  }
0x28: {  	s2 =	sld [smem:$0x3FAB]  }
0x29: {  	s4 =	sld [smem:$0x3FAD]  }
0x2a: {  	p0 =	seq.s32 s5, $0x0;
	s5 =	sld [smem:$0x3FAE]  }
0x2b: {  	s6 =	sld [smem:$0x3FAF]  }
0x2c: {  	s7 =	sld [smem:$0x3FB0]  }
0x2d: {  	s3 =	simm.s32 $0x108;
	s8 =	sld [smem:$0x3FB1]  }
0x2e: {  	s3 =	simm.s32 @!p0 $0x1082;
	s9 =	sld [smem:$0x3FB2]  }
0x2f: {  	lr =	sadd.s32 s0, s3;
	s0 =	sld [smem:$0x3FA9]  }
0x30: {  	s3 =	sld [smem:$0x3FAC]  }
0x31: {  	[smem:$0x3FB5] =	sst s10  }
0x32: {  	s10 =	sld [smem:$0x3FB3];
	_ =	sdelay $0x3  }
0x33: {  	p0 =	seq.s32 s10, $0x1;
	s10 =	sld [smem:$0x3FB5];
	_ =	sdelay $0x3  }
0x34: {  	[smem:$0x3FB5] =	sst s10  }
0x35: {  	s10 =	sld [smem:$0x3FB4];
	_ =	sdelay $0x3  }
0x36: {  	p1 =	seq.s32 s10, $0x1;
	s10 =	sld [smem:$0x3FB5];
	_ =	sdelay $0x3  }
0x37: {  	[smem:$0x3FB5] =	sst s10  }
0x38: {  	s10 =	sld [smem:$0x3FB6]  }
0x39: {  	_ = 	snop;
	(pc) =	sbr.ind lr, $3  }
0x3a: {  	_ = 	snop  }
0x3b: {  	_ = 	snop  }
0x3c: {  	p2 =	seq.s32 s10, $0x1;
	s10 =	sld [smem:$0x3FB5]  }
0x3d: {  	_ =	shalt  }
0x3e: {  	_ =	shalt  }
0x3f: {  	_ =	shalt  }
0x40: {  	_ =	shalt  }
0x41: {  	_ =	shalt  }
0x42: {  	_ =	shalt  }
0x43: {  	_ =	shalt  }
0x44: {  	_ =	shalt  }
0x45: {  	_ =	shalt  }
0x46: {  	_ =	shalt  }
0x47: {  	_ =	shalt  }
0x48: {  	_ =	shalt  }
0x49: {  	_ =	shalt  }
0x4a: {  	_ =	shalt  }
0x4b: {  	_ =	shalt  }
0x4c: {  	_ =	shalt  }
0x4d: {  	_ =	shalt  }
0x4e: {  	_ =	shalt  }
0x4f: {  	_ =	shalt  }
0x50: {  	_ =	shalt  }
0x51: {  	_ =	shalt  }
0x52: {  	_ =	shalt  }
0x53: {  	_ =	shalt  }
0x54: {  	_ =	shalt  }
0x55: {  	_ =	shalt  }
0x56: {  	_ =	shalt  }
0x57: {  	_ =	shalt  }
0x58: {  	_ =	shalt  }
0x59: {  	_ =	shalt  }
0x5a: {  	_ =	shalt  }
0x5b: {  	_ =	shalt  }
0x5c: {  	_ =	shalt  }
0x5d: {  	_ =	shalt  }
0x5e: {  	_ =	shalt  }
0x5f: {  	_ =	shalt  }
0x60: {  	_ =	shalt  }
0x61: {  	_ =	shalt  }
0x62: {  	_ =	shalt  }
0x63: {  	_ =	shalt  }
0x64: {  	_ =	shalt  }
0x65: {  	_ =	shalt  }
0x66: {  	_ =	shalt  }
0x67: {  	_ =	shalt  }
0x68: {  	_ =	shalt  }
0x69: {  	_ =	shalt  }
0x6a: {  	_ =	shalt  }
0x6b: {  	_ =	shalt  }
0x6c: {  	_ =	shalt  }
0x6d: {  	_ =	shalt  }
0x6e: {  	_ =	shalt  }
0x6f: {  	_ =	shalt  }
0x70: {  	_ =	shalt  }
0x71: {  	_ =	shalt  }
0x72: {  	_ =	shalt  }
0x73: {  	_ =	shalt  }
0x74: {  	_ =	shalt  }
0x75: {  	_ =	shalt  }
0x76: {  	_ =	shalt  }
0x77: {  	_ =	shalt  }
0x78: {  	_ =	shalt  }
0x79: {  	_ =	shalt  }
0x7a: {  	_ =	shalt  }
0x7b: {  	_ =	shalt  }
0x7c: {  	_ =	shalt  }
0x7d: {  	_ =	shalt  }
0x7e: {  	_ =	shalt  }
0x7f: {  	_ =	shalt  }
0x80: {  	_ =	shalt  }
0x81: {  	_ =	shalt  }
0x82: {  	_ =	shalt  }
0x83: {  	_ =	shalt  }
0x84: {  	_ =	shalt  }
0x85: {  	_ =	shalt  }
0x86: {  	_ =	shalt  }
0x87: {  	_ =	shalt  }
.Lfunc_end0:
.L_simem_size_0:
called_computation_lowered:
.L_overlay_start_0:
0x88: {  	s2 =	sld [smem:$0x3FD9]  }
0x89: {  	s3 =	sld [smem:$0x3FFE];
	_ =	sdelay $0x1  }
0x8a: {  	s1 =	srdreg.scid  }
0x8b: {  	s0 =	sand.u32 $0x1, s1  }
0x8c: {  	s17 =	sshll.u32 s0, $0xA;
	s2 =	sadd.s32 s3, s2  }
0x8d: {  	s2 =	sadd.s32 s2, s17  }
0x8e: {  	[smem:$0x3FC1] =	sst s2  }
0x8f: {  	_ = 	snop  }
0x90: {  	s2 =	sld [smem:$0x3FC7]  }
0x91: {  	s18 =	sld [smem:$0x3FD0];
	(tm) =	ssettm $0x1  }
0x92: {  	s4 =	sld [smem:$0x3FFB];
	_ =	sdelay $0x3  }
0x93: {  	_ =	strace s4  }
0x94: {  	s4 =	sld [smem:$0x3FFC];
	_ =	sdelay $0x3  }
0x95: {  	_ =	strace s4  }
0x96: {  	s4 =	sld [smem:$0x3FFD];
	_ =	sdelay $0x3  }
0x97: {  	_ =	strace s4  }
0x98: {  	_ =	strace $0x8FFFFFFF  }
0x99: {  	s19 =	sld [smem:$0x3FDB];
	_ =	sdelay $0x1  }
0x9a: {  	s5 =	simm.s32 $_scs_section_size  }
0x9b: {  	s6 =	simm.s32 $_size__tile_overlayer_lowered;
	s7 =	simm.s32 $_tile_overlayer_lowered  }
0x9c: {  	s22 =	simm.s32 $0x1BFF;
	s21 =	sshll.u32 s7, $0x1;
	s4 =	sadd.s32 s5, s19  }
0x9d: {  	s8 =	simm.s32 $0x0;
	s20 =	sshll.u32 s6, $0x1;
	s6 =	sadd.s32 s21, s4  }
0x9e: {  	[timem:s8], [sflag:s22] =	dma.local [hbm:s6], s20  }
0x9f: {  	_ =	swait.ge [sflag:s22], s20  }
0xa0: {  	s5 =	ssub.s32 $0x0, s20;
	[sflag:s22] =	ssyncset.done $0x0  }
0xa1: {  	[sflag:s22] =	ssyncadd.s32 s5;
	_ =	sdelay $0x1  }
0xa2: {  	s23 =	simm.s32 $0x1B8B  }
0xa3: {  	_ =	swait.ge [sflag:s23], $0x1  }
0xa4: {  	[sflag:s23] =	ssyncset.done $0x0  }
0xa5: {  	s25 =	simm.s32 $0x1B8E;
	s24 =	sld [smem:$0x3FFE];
	[sflag:s23] =	ssyncadd.s32 $0xFFFFFFFF  }
0xa6: {  	s26 =	simm.s32 $execute0_lowered;
	[smem:$0x3FD2] =	sst s25  }
0xa7: {  	s6 =	sshll.u32 s26, $0x1;
	_ =	strace $0x80000046;
	[dreg:$0x1] =	wrdreg $0xFFFFFFFF  }
0xa8: {  	s28 =	simm.s32 $_size_execute0_lowered;
	s4 =	sadd.s32 s4, s6;
	[dreg:$0x0] =	wrdreg $0x0  }
0xa9: {  	s6 =	sshll.u32 s28, $0x1;
	[dreg:$0x2] =	wrdreg s4  }
0xaa: {  	[dreg:$0x3] =	wrdreg s6  }
0xab: {  	[dreg:$0x4] =	wrdreg $0xC0  }
0xac: {  	_ =	task [dreg:s8], $0x5FFFF  }
0xad: {  	[dreg:$0x1] =	wrdreg $0xFFFFFFFF  }
0xae: {  	[dreg:$0x0] =	wrdreg $0x60  }
0xaf: {  	[dreg:$0x2] =	wrdreg s24  }
0xb0: {  	[dreg:$0x3] =	wrdreg s2  }
0xb1: {  	[dreg:$0x4] =	wrdreg s18  }
0xb2: {  	[dreg:$0x5] =	wrdreg $0x9  }
0xb3: {  	_ =	task.clear_ibuf [dreg:s8], $0x6FFFF;
	_ =	strace $0x90000046  }
0xb4: {  	s29 =	simm.s32 $0x9;
	_ =	strace $0x80000048  }
0xb5: {  	_ =	swait.ge [sflag:s29], $0x1  }
0xb6: {  	[sflag:s29] =	ssyncadd.s32 $0xFFFFFFFF  }
0xb7: {  	_ =	strace $0x90000048  }
0xb8: {  	_ =	sfence  }
0xb9: {  	s30 =	sld [smem:$0x0];
	_ =	sdelay $0x2  }
0xba: {  	s31 =	sshll.u32 s1, $0xD;
	s1 =	sshrl.u32 s1, $0x2  }
0xbb: {  	s3 =	sand.u32 $0x4000, s31;
	s1 =	sadd.s32 s1, s30  }
0xbc: {  	s0 =	sor.u32 s3, s0;
	s1 =	sshll.u32 s1, $0x11  }
0xbd: {  	s0 =	sor.u32 s1, s0  }
0xbe: {  	s0 =	sadd.s32 $0x8F2B, s0  }
0xbf: {  	[sflag:s0] =	ssyncadd.remote.s32 $0x1  }
0xc0: {  	_ =	sfence.sel $0xFFFF  }
0xc1: {  	[dreg:$0x0] =	wrdreg $0xFFFFFFFF;
	(pc) =	sbr.abs _section_cstart, $3  }
0xc2: {  	[dreg:$0x1] =	wrdreg $0xFFFFFFFF  }
0xc3: {  	_ =	task.clear_ibuf [dreg:s8], $0x2FFFF;
	_ =	strace $0x9FFFFFFF  }
0xc4: {  	(tm) =	ssettm $0x7FFFFFFF  }
0xc5: {  	_ =	shalt  }
tec
execute0_lowered:
.L_overlay_start_1:
0x0: {  	(tag) =	ssettag $0x1  }
0x1: {  	s4 =	rddreg [dreg:$0x0]  }
0x2: {  	s2 =	rddreg [dreg:$0x1]  }
0x3: {  	s5 =	rddreg [dreg:$0x2];
	s3 =	srdreg.scid  }
0x4: {  	s0 =	rddreg [dreg:$0x3];
	s1 =	stileid.u32  }
0x5: {  	s9 =	simm.s32 $0x8000;
	s10 =	simm.s32 $0x48;
	s11 =	simm.s32 $0x400  }
0x6: {  	s12 =	simm.s32 $0xC000;
	s13 =	simm.s32 $0xE400;
	s14 =	simm.s32 $0x12400  }
0x7: {  	s15 =	simm.s32 $0x1;
	s16 =	simm.s32 $0x2;
	s17 =	simm.s32 $0x7B80  }
0x8: {  	s18 =	simm.s32 $0x7F80;
	s19 =	simm.s32 $0x14800;
	s20 =	simm.s32 $0x0  }
0x9: {  	s6 =	sand.u32 $0x1, s3;
	s3 =	simm.s32 $0x0;
	s7 =	sshll.u32 s1, $0x8  }
0xa: {  	s8 =	sshll.u32 s6, $0x7;
	[smem:$0x7FF] =	sst s3;
	s6 =	ssub.s32 $0x2, s6  }
0xb: {  	s7 =	sor.u32 s8, s7;
	_ =	strace $0x80000047;
	s31 =	sshrl.u32 s6, $0x1  }
0xc: {  	s8 =	sshll.u32 s7, $0x5;
	s7 =	sshll.u32 s7, $0x4;
	s6 =	ssub.s32 s6, s31  }
0xd: {  	s4 =	sadd.s32 s8, s4;
	s5 =	sadd.s32 s5, s7;
	s6 =	smax.u32 s6, $0x1  }
0xe: {  	s7 =	simm.s32 $0x3;
	s8 =	simm.s32 $0x80;
	s4 =	sadd.s32 $0x1000, s4  }
.LBB2_1:
0xf: {  	[tilespmem:s3], [sflag:$0x3] =	stream.linear.gather [hbm4b:s4+s3], $0x8000, $0x38;
	[tilespmem:$0x18800] =	vst v63  }
0x10: {  	_ =	swait.ge [sflag:s7], $0x8000  }
0x11: {  	s21 =	simm.s32 $0x0;
	[sflag:s7] =	ssyncset.done $0x0  }
0x12: {  	s22 =	sand.u32 $0x7800, s3;
	s21 =	sand.u32 $0x300, s21;
	[sflag:s7] =	ssyncadd.s32 $0xFFFF8000  }
0x13: {  	[tilespmem:s9], [sflag:$0x1] =	stream.indirect.gather [hbm4b:s2+s8], $0x80, s3, s8, $0xb8;
	[tilespmem:$0x18800] =	vst v63  }
0x14: {  	s21 =	sor.u32 s21, s22  }
0x15: {  	[tilespmem:s12], [sflag:$0x1] =	stream.indirect.gather [hbm4b:s2+s10], $0x80, s11, s10, $0xb8;
	[tilespmem:$0x18800] =	vst v63  }
0x16: {  	s22 =	sor.u32 $0x80, s21  }
0x17: {  	[tilespmem:s13], [sflag:$0x2] =	stream.indirect.gather [hbm4b:s2+s8], $0x80, s22, s8, $0xb8;
	[tilespmem:$0x18800] =	vst v63  }
0x18: {  	s21 =	sor.u32 $0x480, s21  }
0x19: {  	[tilespmem:s14], [sflag:$0x2] =	stream.indirect.gather [hbm4b:s2+s10], $0x80, s21, s10, $0xb8;
	[tilespmem:$0x18800] =	vst v63  }
0x1a: {  	_ =	swait.ge [sflag:s15], $0x4000  }
0x1b: {  	[sflag:s15] =	ssyncset.done $0x0  }
0x1c: {  	[sflag:s15] =	ssyncadd.s32 $0xFFFFC000  }
0x1d: {  	s30 =	simm.s32 $0x100;
	s21 =	simm.s32 $0x200;
	_ =	swait.ge [sflag:s15], $0x2400  }
0x1e: {  	s22 =	sand.u32 $0x300, s30;
	s23 =	sand.u32 $0xF800, s21;
	[sflag:s15] =	ssyncset.done $0x0  }
0x1f: {  	s22 =	sor.u32 s22, s23;
	[sflag:s15] =	ssyncadd.s32 $0xFFFFDC00  }
0x20: {  	[tilespmem:s9], [sflag:$0x1] =	stream.indirect.gather [hbm4b:s2+s8], $0x80, s22, s8, $0xb8;
	[tilespmem:$0x18800] =	vst v63  }
0x21: {  	s22 =	sor.u32 $0x400, s22  }
0x22: {  	[tilespmem:s12], [sflag:$0x1] =	stream.indirect.gather [hbm4b:s2+s10], $0x80, s22, s10, $0xb8;
	[tilespmem:$0x18800] =	vst v63  }
0x23: {  	_ =	swait.ge [sflag:s16], $0x4000  }
0x24: {  	[sflag:s16] =	ssyncset.done $0x0  }
0x25: {  	s31 =	simm.s32 $0x100;
	s24 =	simm.s32 $0x300;
	[sflag:s16] =	ssyncadd.s32 $0xFFFFC000  }
0x26: {  	s25 =	sand.u32 $0x7800, s21;
	s23 =	sand.u32 $0x300, s31;
	_ =	swait.ge [sflag:s16], $0x2400  }
0x27: {  	s23 =	sor.u32 s23, s25;
	s22 =	simm.s32 $0x200;
	[sflag:s16] =	ssyncset.done $0x0  }
.LBB2_2:
0x28: {  	s25 =	sor.u32 $0x80, s23  }
0x29: {  	[sflag:s16] =	ssyncadd.s32 $0xFFFFDC00;
	s26 =	smov.u32 s24;
	s28 =	sadd.s32 $0x100, s24  }
0x2a: {  	[tilespmem:s13], [sflag:$0x2] =	stream.indirect.gather [hbm4b:s2+s8], $0x80, s25, s8, $0xb8;
	[tilespmem:$0x18800] =	vst v63  }
0x2b: {  	p0 =	sne.s32 s24, $0x3F00;
	s23 =	sor.u32 $0x480, s23  }
0x2c: {  	[tilespmem:s14], [sflag:$0x2] =	stream.indirect.gather [hbm4b:s2+s10], $0x80, s23, s10, $0xb8;
	[tilespmem:$0x18800] =	vst v63  }
0x2d: {  	_ =	swait.ge [sflag:s15], $0x4000  }
0x2e: {  	[sflag:s15] =	ssyncset.done $0x0  }
0x2f: {  	[sflag:s15] =	ssyncadd.s32 $0xFFFFC000  }
0x30: {  	s21 =	sadd.s32 $0x200, s21;
	_ =	swait.ge [sflag:s15], $0x2400  }
0x31: {  	s22 =	sand.u32 $0x300, s22;
	s23 =	sand.u32 $0xF800, s21;
	[sflag:s15] =	ssyncset.done $0x0  }
0x32: {  	s23 =	sor.u32 s22, s23;
	s22 =	smov.u32 s26;
	[sflag:s15] =	ssyncadd.s32 $0xFFFFDC00  }
0x33: {  	[tilespmem:s9], [sflag:$0x1] =	stream.indirect.gather [hbm4b:s2+s8], $0x80, s23, s8, $0xb8;
	[tilespmem:$0x18800] =	vst v63  }
0x34: {  	s23 =	sor.u32 $0x400, s23  }
0x35: {  	[tilespmem:s12], [sflag:$0x1] =	stream.indirect.gather [hbm4b:s2+s10], $0x80, s23, s10, $0xb8;
	[tilespmem:$0x18800] =	vst v63  }
.Ltmp0:
0x36: {  	_ =	swait.ge [sflag:s16], $0x4000;
	(pc) =	sbr.rel @p0 .LBB2_2-.Ltmp0, $4  }
0x37: {  	[sflag:s16] =	ssyncset.done $0x0  }
0x38: {  	s23 =	sadd.s32 $0xFFFFFF00, s22;
	[sflag:s16] =	ssyncadd.s32 $0xFFFFC000  }
0x39: {  	s24 =	sand.u32 $0x7800, s21;
	s23 =	sand.u32 $0x300, s23;
	_ =	swait.ge [sflag:s16], $0x2400  }
0x3a: {  	s23 =	sor.u32 s23, s24;
	s24 =	smov.u32 s28;
	[sflag:s16] =	ssyncset.done $0x0  }
0x3b: {  	s24 =	sor.u32 $0x80, s23;
	[sflag:s16] =	ssyncadd.s32 $0xFFFFDC00  }
0x3c: {  	[tilespmem:s13], [sflag:$0x2] =	stream.indirect.gather [hbm4b:s2+s8], $0x80, s24, s8, $0xb8;
	[tilespmem:$0x18800] =	vst v63  }
0x3d: {  	s31 =	sor.u32 $0x480, s23  }
0x3e: {  	[tilespmem:s14], [sflag:$0x2] =	stream.indirect.gather [hbm4b:s2+s10], $0x80, s31, s10, $0xb8;
	[tilespmem:$0x18800] =	vst v63  }
0x3f: {  	_ =	swait.ge [sflag:s15], $0x4000  }
0x40: {  	[sflag:s15] =	ssyncset.done $0x0  }
0x41: {  	[sflag:s15] =	ssyncadd.s32 $0xFFFFC000  }
0x42: {  	s21 =	sadd.s32 $0x200, s21;
	_ =	swait.ge [sflag:s15], $0x2400  }
0x43: {  	s22 =	sand.u32 $0x300, s22;
	s21 =	sand.u32 $0xF800, s21;
	[sflag:s15] =	ssyncset.done $0x0  }
0x44: {  	s21 =	sor.u32 s22, s21;
	[sflag:s15] =	ssyncadd.s32 $0xFFFFDC00  }
0x45: {  	[tilespmem:s9], [sflag:$0x1] =	stream.indirect.gather [hbm4b:s2+s8], $0x80, s21, s8, $0xb8;
	[tilespmem:$0x18800] =	vst v63  }
0x46: {  	s21 =	sor.u32 $0x400, s21  }
0x47: {  	[tilespmem:s12], [sflag:$0x1] =	stream.indirect.gather [hbm4b:s2+s10], $0x80, s21, s10, $0xb8;
	[tilespmem:$0x18800] =	vst v63  }
0x48: {  	_ =	swait.ge [sflag:s16], $0x4000  }
0x49: {  	[sflag:s16] =	ssyncset.done $0x0  }
0x4a: {  	[sflag:s16] =	ssyncadd.s32 $0xFFFFC000  }
0x4b: {  	_ =	swait.ge [sflag:s16], $0x2400  }
0x4c: {  	[sflag:s16] =	ssyncset.done $0x0  }
0x4d: {  	[sflag:s16] =	ssyncadd.s32 $0xFFFFDC00  }
0x4e: {  	[tilespmem:s13], [sflag:$0x2] =	stream.indirect.gather [hbm4b:s2+s8], $0x80, s17, s8, $0xb8;
	[tilespmem:$0x18800] =	vst v63  }
0x4f: {  	_ = 	snop  }
0x50: {  	[tilespmem:s14], [sflag:$0x2] =	stream.indirect.gather [hbm4b:s2+s10], $0x80, s18, s10, $0xb8;
	[tilespmem:$0x18800] =	vst v63  }
0x51: {  	_ =	swait.ge [sflag:s15], $0x4000  }
0x52: {  	[sflag:s15] =	ssyncset.done $0x0  }
0x53: {  	[sflag:s15] =	ssyncadd.s32 $0xFFFFC000  }
0x54: {  	_ =	swait.ge [sflag:s15], $0x2400  }
0x55: {  	[sflag:s15] =	ssyncset.done $0x0  }
0x56: {  	[sflag:s15] =	ssyncadd.s32 $0xFFFFDC00  }
0x57: {  	_ =	swait.ge [sflag:s16], $0x4000  }
0x58: {  	[sflag:s16] =	ssyncset.done $0x0  }
0x59: {  	[sflag:s16] =	ssyncadd.s32 $0xFFFFC000  }
0x5a: {  	s20 =	sadd.s32 $0x1, s20;
	_ =	swait.ge [sflag:s16], $0x2400  }
0x5b: {  	p0 =	sne.s32 s20, s6;
	[sflag:s16] =	ssyncset.done $0x0  }
.Ltmp1:
0x5c: {  	[sflag:s16] =	ssyncadd.s32 $0xFFFFDC00;
	(pc) =	sbr.rel @p0 .LBB2_1-.Ltmp1, $4  }
0x5d: {  	[hbm4b:s5+s3] =	stream.linear.scatter [tilespmem:s19], [sflag:$0x3], $0x4000, $0x38;
	[tilespmem:$0x18800] =	vst v63  }
0x5e: {  	_ =	swait.ge [sflag:s7], $0x4000  }
0x5f: {  	[sflag:s7] =	ssyncset.done $0x0  }
0x60: {  	[sflag:s7] =	ssyncadd.s32 $0xFFFFC000  }
0x61: {  	_ =	sfence.sel $0x180000  }
0x62: {  	[bflag:$0x0] =	sbarrier.arrive $0xFFFF  }
0x63: {  	p0 =	sne.s32 s1, $0x0;
	_ =	strace $0x90000047  }
0x64: {  	s0 =	sadd.s32 @!p0 $0x100000, s0;
	[bflag:$0x2] =	sbarrier.arrive $0xFFFF  }
0x65: {  	[sflag:s0] =	ssyncadd.tile.s32 @!p0 $0x1;
	_ =	shalt  }
.Lfunc_end2:
_tile_overlayer_lowered:
.L_overlay_start_2:
0x66: {  	(tag) =	ssettag $0x2  }
0x67: {  	s0 =	rddreg [dreg:$0x0];
	s2 =	stileid.u32  }
0x68: {  	s1 =	rddreg [dreg:$0x1];
	p0 =	sne.s32 s2, $0x0  }
0x69: {  	s3 =	rddreg [dreg:$0x2];
	[bflag:$0x3] =	sbarrier.arrive $0xFFFF;
	s2 =	simm.s32 @!p0 $0x1C03  }
0x6a: {  	[timem:s3], [sflag:s2] =	dma.local @!p0 [hbm:s0], s1  }
0x6b: {  	s0 =	simm.s32 @!p0 $0x3  }
0x6c: {  	_ =	swait.ge @!p0 [sflag:s0], s1  }
0x6d: {  	s1 =	ssub.s32 @!p0 $0x0, s1;
	[sflag:s0] =	ssyncset.done @!p0 $0x0  }
0x6e: {  	[sflag:s0] =	ssyncadd.s32 @!p0 s1  }
0x6f: {  	[bflag:$0x3] =	sbarrier.arrive $0xFFFF  }
0x70: {  	_ =	shalt  }

</sc_bundles>
